<compile_context>
chip_gen: v7x
topology: tpu7x:2x2x1
jax: 0.10.2.dev20260603
libtpu: 0.0.44.dev20260713+nightly
codegen_flags: <defaults>
</compile_context>

<pallas_src>
import functools

import jax
import jax.numpy as jnp
from jax import lax
from jax.experimental import pallas as pl
from jax.experimental.pallas import tpu as pltpu
from jax.experimental.pallas import tpu_sc as plsc

NC, NS = 2, 16
NW = NC * NS
SHAPE = (512, 2, 300, 25)
NTOT = 512 * 2 * 300 * 25
PER_W = NTOT // NW
ROWS = NTOT // 128
BLK = 4000

_mesh = plsc.VectorSubcoreMesh(core_axis_name="c", subcore_axis_name="s")


def _to_phys(x):
    return x.reshape(4, 128, 2, 300, 25).transpose(3, 4, 0, 2, 1).reshape(-1)


def _from_phys(v):
    return v.reshape(300, 25, 4, 2, 128).transpose(2, 4, 3, 0, 1).reshape(SHAPE)


CHUNK = 40_000
NCHUNK = PER_W // CHUNK
NSLOT = 3


@functools.partial(
    pl.kernel,
    out_type=jax.ShapeDtypeStruct((NTOT,), jnp.float32),
    mesh=_mesh,
    scratch_types=(
        [pltpu.VMEM((CHUNK,), jnp.float32) for _ in range(NSLOT)]
        + [pltpu.SemaphoreType.DMA for _ in range(2 * NSLOT)]
    ),
)
def _sc_copy(src_hbm, dst_hbm, b0, b1, b2, si0, si1, si2, so0, so1, so2):
    bufs = (b0, b1, b2)
    sin = (si0, si1, si2)
    sout = (so0, so1, so2)
    wid = lax.axis_index("s") * NC + lax.axis_index("c")
    base = wid * PER_W

    def start_in(i):
        off = base + i * CHUNK
        return pltpu.async_copy(src_hbm.at[pl.ds(off, CHUNK)], bufs[i % NSLOT],
                                sin[i % NSLOT])

    def start_out(i):
        off = base + i * CHUNK
        return pltpu.async_copy(bufs[i % NSLOT], dst_hbm.at[pl.ds(off, CHUNK)],
                                sout[i % NSLOT])

    din = {i: start_in(i) for i in range(NSLOT)}
    dout = {}
    for i in range(NCHUNK):
        if i >= 1 and i + 2 < NCHUNK:
            dout[i - 1].wait()
            din[i + 2] = start_in(i + 2)
        din[i].wait()
        dout[i] = start_out(i)
    for i in range(NCHUNK - NSLOT, NCHUNK):
        dout[i].wait()


def _mul_body(a_ref, b_ref, o_ref):
    o_ref[...] = a_ref[...] * b_ref[...]


_tc_mul = pl.pallas_call(
    _mul_body,
    out_shape=jax.ShapeDtypeStruct((ROWS, 128), jnp.float32),
    grid=(ROWS // BLK,),
    in_specs=[
        pl.BlockSpec((BLK, 128), lambda i: (i, 0)),
        pl.BlockSpec((BLK, 128), lambda i: (i, 0)),
    ],
    out_specs=pl.BlockSpec((BLK, 128), lambda i: (i, 0)),
)


def kernel(m0, m1, m2):
    del m2
    pm0 = _to_phys(m0)
    pm1 = _to_phys(m1)
    out0 = _from_phys(_sc_copy(pm0))
    out1 = _from_phys(_tc_mul(pm0.reshape(ROWS, 128), pm1.reshape(ROWS, 128)).reshape(-1))
    return out0, out1

# --- scband reference (transcript-rebuilt; emitter-appended) ---
"""Pipeline reference for scband-mask-49417893708093 (READ-ONLY COPY).

The authoritative reference and input builder live on the scoring server;
editing this copy changes nothing except your own understanding.
"""

import jax, jax.numpy as jnp
import numpy as np

N_BRANCHES = 3


def setup_inputs(seed: int = 0) -> dict:
    key = jax.random.key(seed)
    k0, k1, k2 = jax.random.split(key, 3)
    shape = (512, 2, 300, 25)  # N=batch, M=persons, T=frames, J=joints (skeleton CAM masks)
    m0 = jax.random.uniform(k0, shape, dtype=jnp.float32)
    m1 = jax.random.uniform(k1, shape, dtype=jnp.float32)
    m2 = jax.random.uniform(k2, shape, dtype=jnp.float32)
    return {"m0": m0, "m1": m1, "m2": m2}


def reference(m0, m1, m2):
    mask_matrices = [m0, m1, m2]
    # --- First loop of the torch forward ---
    # In the original torch code, `branch_attn` is reassigned inside the loop
    # (`branch_attn = branch_attn.view(-1)` then `branch_attn = F.softmax(...)`
    # which allocates a NEW tensor), so the in-place threshold writes land on
    # that new tensor and the `mask_matrices` list entries are NEVER modified.
    # We replicate the math faithfully but, matching torch semantics, its
    # results are discarded.
    for branch_attn in mask_matrices:
        flat = branch_attn.reshape(-1)
        sm = jax.nn.softmax(flat, axis=0)
        thr = jnp.where(sm > 0.3, jnp.float32(1.0), jnp.float32(0.0))
        _discarded = (1.0 - thr).reshape(branch_attn.shape)
    # --- Second loop: mask for branch i = product of mask_matrices[0..i-1] ---
    # These are the values written into self.module.masks[i].data in torch;
    # we return them as the forward outputs.
    masks_out = []
    for i in range(1, N_BRANCHES):
        mask = mask_matrices[0]
        for j in range(1, i):
            mask = mask * mask_matrices[j]
        masks_out.append(mask)
    return tuple(masks_out)

if __name__ == "__main__":
    import jax
    _d = setup_inputs()
    print(jax.jit(kernel)(*tuple(_d.values())))

</pallas_src>

<mosaic_0001>
#map = affine_map<(d0, d1) -> (0)>
module attributes {stable_mosaic.version = 14 : i64} {
  func.func @_sc_copy(%arg0: i32, %arg1: i32, %arg2: memref<7680000xf32, #tpu.memory_space<hbm>>, %arg3: memref<7680000xf32, #tpu.memory_space<hbm>>, %arg4: memref<40000xf32, #tpu.memory_space<vmem>>, %arg5: memref<40000xf32, #tpu.memory_space<vmem>>, %arg6: memref<40000xf32, #tpu.memory_space<vmem>>, %arg7: memref<!tpu.dma_semaphore, #tpu.memory_space<semaphore_mem>>, %arg8: memref<!tpu.dma_semaphore, #tpu.memory_space<semaphore_mem>>, %arg9: memref<!tpu.dma_semaphore, #tpu.memory_space<semaphore_mem>>, %arg10: memref<!tpu.dma_semaphore, #tpu.memory_space<semaphore_mem>>, %arg11: memref<!tpu.dma_semaphore, #tpu.memory_space<semaphore_mem>>, %arg12: memref<!tpu.dma_semaphore, #tpu.memory_space<semaphore_mem>>) attributes {dimension_semantics = [#tpu.dimension_semantics<core_parallel>, #tpu.dimension_semantics<subcore_parallel>], iteration_bounds = array<i64: 2, 16>, scalar_prefetch = 0 : i64, scratch_operands = 9 : i64, tpu.core_type = #tpu.core_type<sc_vector_subcore>, window_params = [{transform_indices = #map}, {transform_indices = #map}]} {
    %mul3A = arith.constant 2 : i32
    %mul3A_0 = arith.muli %arg1, %mul3A : i32
    %add3A = arith.addi %mul3A_0, %arg0 : i32
    %mul3A_1 = arith.constant 240000 : i32
    %mul3A_2 = arith.muli %add3A, %mul3A_1 : i32
    %add3A_3 = arith.constant 0 : i32
    %add3A_4 = arith.addi %mul3A_2, %add3A_3 : i32
    %dma_start3A = tpu.memref_slice %arg2[%add3A_4] : memref<7680000xf32, #tpu.memory_space<hbm>> -> memref<40000xf32, #tpu.memory_space<hbm>>
    %dma_start3A_5 = tpu.memref_slice %arg2[%add3A_4] : memref<7680000xf32, #tpu.memory_space<hbm>> -> memref<40000xf32, #tpu.memory_space<hbm>>
    tpu.enqueue_dma source(%dma_start3A_5 : memref<40000xf32, #tpu.memory_space<hbm>>) target(%arg4 : memref<40000xf32, #tpu.memory_space<vmem>>) target_semaphore(%arg7 : memref<!tpu.dma_semaphore, #tpu.memory_space<semaphore_mem>>)
    %add3A_6 = arith.constant 40000 : i32
    %add3A_7 = arith.addi %mul3A_2, %add3A_6 : i32
    %dma_start3A_8 = tpu.memref_slice %arg2[%add3A_7] : memref<7680000xf32, #tpu.memory_space<hbm>> -> memref<40000xf32, #tpu.memory_space<hbm>>
    %dma_start3A_9 = tpu.memref_slice %arg2[%add3A_7] : memref<7680000xf32, #tpu.memory_space<hbm>> -> memref<40000xf32, #tpu.memory_space<hbm>>
    tpu.enqueue_dma source(%dma_start3A_9 : memref<40000xf32, #tpu.memory_space<hbm>>) target(%arg5 : memref<40000xf32, #tpu.memory_space<vmem>>) target_semaphore(%arg8 : memref<!tpu.dma_semaphore, #tpu.memory_space<semaphore_mem>>)
    %add3A_10 = arith.constant 80000 : i32
    %add3A_11 = arith.addi %mul3A_2, %add3A_10 : i32
    %dma_start3A_12 = tpu.memref_slice %arg2[%add3A_11] : memref<7680000xf32, #tpu.memory_space<hbm>> -> memref<40000xf32, #tpu.memory_space<hbm>>
    %dma_start3A_13 = tpu.memref_slice %arg2[%add3A_11] : memref<7680000xf32, #tpu.memory_space<hbm>> -> memref<40000xf32, #tpu.memory_space<hbm>>
    tpu.enqueue_dma source(%dma_start3A_13 : memref<40000xf32, #tpu.memory_space<hbm>>) target(%arg6 : memref<40000xf32, #tpu.memory_space<vmem>>) target_semaphore(%arg9 : memref<!tpu.dma_semaphore, #tpu.memory_space<semaphore_mem>>)
    %dma_wait3A = tpu.memref_slice %arg2[%add3A_4] : memref<7680000xf32, #tpu.memory_space<hbm>> -> memref<40000xf32, #tpu.memory_space<hbm>>
    %dma_wait3A_14 = tpu.memref_slice %arg2[%add3A_4] : memref<7680000xf32, #tpu.memory_space<hbm>> -> memref<40000xf32, #tpu.memory_space<hbm>>
    tpu.wait_dma2 semaphore(%arg7 : memref<!tpu.dma_semaphore, #tpu.memory_space<semaphore_mem>>) src(%dma_wait3A_14 : memref<40000xf32, #tpu.memory_space<hbm>>) dst(%arg4 : memref<40000xf32, #tpu.memory_space<vmem>>)
    %add3A_15 = arith.constant 0 : i32
    %add3A_16 = arith.addi %mul3A_2, %add3A_15 : i32
    %dma_start3A_17 = tpu.memref_slice %arg3[%add3A_16] : memref<7680000xf32, #tpu.memory_space<hbm>> -> memref<40000xf32, #tpu.memory_space<hbm>>
    %dma_start3A_18 = tpu.memref_slice %arg3[%add3A_16] : memref<7680000xf32, #tpu.memory_space<hbm>> -> memref<40000xf32, #tpu.memory_space<hbm>>
    tpu.enqueue_dma source(%arg4 : memref<40000xf32, #tpu.memory_space<vmem>>) target(%dma_start3A_18 : memref<40000xf32, #tpu.memory_space<hbm>>) target_semaphore(%arg10 : memref<!tpu.dma_semaphore, #tpu.memory_space<semaphore_mem>>)
    %dma_wait3A_19 = tpu.memref_slice %arg3[%add3A_16] : memref<7680000xf32, #tpu.memory_space<hbm>> -> memref<40000xf32, #tpu.memory_space<hbm>>
    %dma_wait3A_20 = tpu.memref_slice %arg3[%add3A_16] : memref<7680000xf32, #tpu.memory_space<hbm>> -> memref<40000xf32, #tpu.memory_space<hbm>>
    tpu.wait_dma2 semaphore(%arg10 : memref<!tpu.dma_semaphore, #tpu.memory_space<semaphore_mem>>) src(%arg4 : memref<40000xf32, #tpu.memory_space<vmem>>) dst(%dma_wait3A_20 : memref<40000xf32, #tpu.memory_space<hbm>>)
    %add3A_21 = arith.constant 120000 : i32
    %add3A_22 = arith.addi %mul3A_2, %add3A_21 : i32
    %dma_start3A_23 = tpu.memref_slice %arg2[%add3A_22] : memref<7680000xf32, #tpu.memory_space<hbm>> -> memref<40000xf32, #tpu.memory_space<hbm>>
    %dma_start3A_24 = tpu.memref_slice %arg2[%add3A_22] : memref<7680000xf32, #tpu.memory_space<hbm>> -> memref<40000xf32, #tpu.memory_space<hbm>>
    tpu.enqueue_dma source(%dma_start3A_24 : memref<40000xf32, #tpu.memory_space<hbm>>) target(%arg4 : memref<40000xf32, #tpu.memory_space<vmem>>) target_semaphore(%arg7 : memref<!tpu.dma_semaphore, #tpu.memory_space<semaphore_mem>>)
    %dma_wait3A_25 = tpu.memref_slice %arg2[%add3A_7] : memref<7680000xf32, #tpu.memory_space<hbm>> -> memref<40000xf32, #tpu.memory_space<hbm>>
    %dma_wait3A_26 = tpu.memref_slice %arg2[%add3A_7] : memref<7680000xf32, #tpu.memory_space<hbm>> -> memref<40000xf32, #tpu.memory_space<hbm>>
    tpu.wait_dma2 semaphore(%arg8 : memref<!tpu.dma_semaphore, #tpu.memory_space<semaphore_mem>>) src(%dma_wait3A_26 : memref<40000xf32, #tpu.memory_space<hbm>>) dst(%arg5 : memref<40000xf32, #tpu.memory_space<vmem>>)
    %add3A_27 = arith.constant 40000 : i32
    %add3A_28 = arith.addi %mul3A_2, %add3A_27 : i32
    %dma_start3A_29 = tpu.memref_slice %arg3[%add3A_28] : memref<7680000xf32, #tpu.memory_space<hbm>> -> memref<40000xf32, #tpu.memory_space<hbm>>
    %dma_start3A_30 = tpu.memref_slice %arg3[%add3A_28] : memref<7680000xf32, #tpu.memory_space<hbm>> -> memref<40000xf32, #tpu.memory_space<hbm>>
    tpu.enqueue_dma source(%arg5 : memref<40000xf32, #tpu.memory_space<vmem>>) target(%dma_start3A_30 : memref<40000xf32, #tpu.memory_space<hbm>>) target_semaphore(%arg11 : memref<!tpu.dma_semaphore, #tpu.memory_space<semaphore_mem>>)
    %dma_wait3A_31 = tpu.memref_slice %arg3[%add3A_28] : memref<7680000xf32, #tpu.memory_space<hbm>> -> memref<40000xf32, #tpu.memory_space<hbm>>
    %dma_wait3A_32 = tpu.memref_slice %arg3[%add3A_28] : memref<7680000xf32, #tpu.memory_space<hbm>> -> memref<40000xf32, #tpu.memory_space<hbm>>
    tpu.wait_dma2 semaphore(%arg11 : memref<!tpu.dma_semaphore, #tpu.memory_space<semaphore_mem>>) src(%arg5 : memref<40000xf32, #tpu.memory_space<vmem>>) dst(%dma_wait3A_32 : memref<40000xf32, #tpu.memory_space<hbm>>)
    %add3A_33 = arith.constant 160000 : i32
    %add3A_34 = arith.addi %mul3A_2, %add3A_33 : i32
    %dma_start3A_35 = tpu.memref_slice %arg2[%add3A_34] : memref<7680000xf32, #tpu.memory_space<hbm>> -> memref<40000xf32, #tpu.memory_space<hbm>>
    %dma_start3A_36 = tpu.memref_slice %arg2[%add3A_34] : memref<7680000xf32, #tpu.memory_space<hbm>> -> memref<40000xf32, #tpu.memory_space<hbm>>
    tpu.enqueue_dma source(%dma_start3A_36 : memref<40000xf32, #tpu.memory_space<hbm>>) target(%arg5 : memref<40000xf32, #tpu.memory_space<vmem>>) target_semaphore(%arg8 : memref<!tpu.dma_semaphore, #tpu.memory_space<semaphore_mem>>)
    %dma_wait3A_37 = tpu.memref_slice %arg2[%add3A_11] : memref<7680000xf32, #tpu.memory_space<hbm>> -> memref<40000xf32, #tpu.memory_space<hbm>>
    %dma_wait3A_38 = tpu.memref_slice %arg2[%add3A_11] : memref<7680000xf32, #tpu.memory_space<hbm>> -> memref<40000xf32, #tpu.memory_space<hbm>>
    tpu.wait_dma2 semaphore(%arg9 : memref<!tpu.dma_semaphore, #tpu.memory_space<semaphore_mem>>) src(%dma_wait3A_38 : memref<40000xf32, #tpu.memory_space<hbm>>) dst(%arg6 : memref<40000xf32, #tpu.memory_space<vmem>>)
    %add3A_39 = arith.constant 80000 : i32
    %add3A_40 = arith.addi %mul3A_2, %add3A_39 : i32
    %dma_start3A_41 = tpu.memref_slice %arg3[%add3A_40] : memref<7680000xf32, #tpu.memory_space<hbm>> -> memref<40000xf32, #tpu.memory_space<hbm>>
    %dma_start3A_42 = tpu.memref_slice %arg3[%add3A_40] : memref<7680000xf32, #tpu.memory_space<hbm>> -> memref<40000xf32, #tpu.memory_space<hbm>>
    tpu.enqueue_dma source(%arg6 : memref<40000xf32, #tpu.memory_space<vmem>>) target(%dma_start3A_42 : memref<40000xf32, #tpu.memory_space<hbm>>) target_semaphore(%arg12 : memref<!tpu.dma_semaphore, #tpu.memory_space<semaphore_mem>>)
    %dma_wait3A_43 = tpu.memref_slice %arg3[%add3A_40] : memref<7680000xf32, #tpu.memory_space<hbm>> -> memref<40000xf32, #tpu.memory_space<hbm>>
    %dma_wait3A_44 = tpu.memref_slice %arg3[%add3A_40] : memref<7680000xf32, #tpu.memory_space<hbm>> -> memref<40000xf32, #tpu.memory_space<hbm>>
    tpu.wait_dma2 semaphore(%arg12 : memref<!tpu.dma_semaphore, #tpu.memory_space<semaphore_mem>>) src(%arg6 : memref<40000xf32, #tpu.memory_space<vmem>>) dst(%dma_wait3A_44 : memref<40000xf32, #tpu.memory_space<hbm>>)
    %add3A_45 = arith.constant 200000 : i32
    %add3A_46 = arith.addi %mul3A_2, %add3A_45 : i32
    %dma_start3A_47 = tpu.memref_slice %arg2[%add3A_46] : memref<7680000xf32, #tpu.memory_space<hbm>> -> memref<40000xf32, #tpu.memory_space<hbm>>
    %dma_start3A_48 = tpu.memref_slice %arg2[%add3A_46] : memref<7680000xf32, #tpu.memory_space<hbm>> -> memref<40000xf32, #tpu.memory_space<hbm>>
    tpu.enqueue_dma source(%dma_start3A_48 : memref<40000xf32, #tpu.memory_space<hbm>>) target(%arg6 : memref<40000xf32, #tpu.memory_space<vmem>>) target_semaphore(%arg9 : memref<!tpu.dma_semaphore, #tpu.memory_space<semaphore_mem>>)
    %dma_wait3A_49 = tpu.memref_slice %arg2[%add3A_22] : memref<7680000xf32, #tpu.memory_space<hbm>> -> memref<40000xf32, #tpu.memory_space<hbm>>
    %dma_wait3A_50 = tpu.memref_slice %arg2[%add3A_22] : memref<7680000xf32, #tpu.memory_space<hbm>> -> memref<40000xf32, #tpu.memory_space<hbm>>
    tpu.wait_dma2 semaphore(%arg7 : memref<!tpu.dma_semaphore, #tpu.memory_space<semaphore_mem>>) src(%dma_wait3A_50 : memref<40000xf32, #tpu.memory_space<hbm>>) dst(%arg4 : memref<40000xf32, #tpu.memory_space<vmem>>)
    %add3A_51 = arith.constant 120000 : i32
    %add3A_52 = arith.addi %mul3A_2, %add3A_51 : i32
    %dma_start3A_53 = tpu.memref_slice %arg3[%add3A_52] : memref<7680000xf32, #tpu.memory_space<hbm>> -> memref<40000xf32, #tpu.memory_space<hbm>>
    %dma_start3A_54 = tpu.memref_slice %arg3[%add3A_52] : memref<7680000xf32, #tpu.memory_space<hbm>> -> memref<40000xf32, #tpu.memory_space<hbm>>
    tpu.enqueue_dma source(%arg4 : memref<40000xf32, #tpu.memory_space<vmem>>) target(%dma_start3A_54 : memref<40000xf32, #tpu.memory_space<hbm>>) target_semaphore(%arg10 : memref<!tpu.dma_semaphore, #tpu.memory_space<semaphore_mem>>)
    %dma_wait3A_55 = tpu.memref_slice %arg2[%add3A_34] : memref<7680000xf32, #tpu.memory_space<hbm>> -> memref<40000xf32, #tpu.memory_space<hbm>>
    %dma_wait3A_56 = tpu.memref_slice %arg2[%add3A_34] : memref<7680000xf32, #tpu.memory_space<hbm>> -> memref<40000xf32, #tpu.memory_space<hbm>>
    tpu.wait_dma2 semaphore(%arg8 : memref<!tpu.dma_semaphore, #tpu.memory_space<semaphore_mem>>) src(%dma_wait3A_56 : memref<40000xf32, #tpu.memory_space<hbm>>) dst(%arg5 : memref<40000xf32, #tpu.memory_space<vmem>>)
    %add3A_57 = arith.constant 160000 : i32
    %add3A_58 = arith.addi %mul3A_2, %add3A_57 : i32
    %dma_start3A_59 = tpu.memref_slice %arg3[%add3A_58] : memref<7680000xf32, #tpu.memory_space<hbm>> -> memref<40000xf32, #tpu.memory_space<hbm>>
    %dma_start3A_60 = tpu.memref_slice %arg3[%add3A_58] : memref<7680000xf32, #tpu.memory_space<hbm>> -> memref<40000xf32, #tpu.memory_space<hbm>>
    tpu.enqueue_dma source(%arg5 : memref<40000xf32, #tpu.memory_space<vmem>>) target(%dma_start3A_60 : memref<40000xf32, #tpu.memory_space<hbm>>) target_semaphore(%arg11 : memref<!tpu.dma_semaphore, #tpu.memory_space<semaphore_mem>>)
    %dma_wait3A_61 = tpu.memref_slice %arg2[%add3A_46] : memref<7680000xf32, #tpu.memory_space<hbm>> -> memref<40000xf32, #tpu.memory_space<hbm>>
    %dma_wait3A_62 = tpu.memref_slice %arg2[%add3A_46] : memref<7680000xf32, #tpu.memory_space<hbm>> -> memref<40000xf32, #tpu.memory_space<hbm>>
    tpu.wait_dma2 semaphore(%arg9 : memref<!tpu.dma_semaphore, #tpu.memory_space<semaphore_mem>>) src(%dma_wait3A_62 : memref<40000xf32, #tpu.memory_space<hbm>>) dst(%arg6 : memref<40000xf32, #tpu.memory_space<vmem>>)
    %add3A_63 = arith.constant 200000 : i32
    %add3A_64 = arith.addi %mul3A_2, %add3A_63 : i32
    %dma_start3A_65 = tpu.memref_slice %arg3[%add3A_64] : memref<7680000xf32, #tpu.memory_space<hbm>> -> memref<40000xf32, #tpu.memory_space<hbm>>
    %dma_start3A_66 = tpu.memref_slice %arg3[%add3A_64] : memref<7680000xf32, #tpu.memory_space<hbm>> -> memref<40000xf32, #tpu.memory_space<hbm>>
    tpu.enqueue_dma source(%arg6 : memref<40000xf32, #tpu.memory_space<vmem>>) target(%dma_start3A_66 : memref<40000xf32, #tpu.memory_space<hbm>>) target_semaphore(%arg12 : memref<!tpu.dma_semaphore, #tpu.memory_space<semaphore_mem>>)
    %dma_wait3A_67 = tpu.memref_slice %arg3[%add3A_52] : memref<7680000xf32, #tpu.memory_space<hbm>> -> memref<40000xf32, #tpu.memory_space<hbm>>
    %dma_wait3A_68 = tpu.memref_slice %arg3[%add3A_52] : memref<7680000xf32, #tpu.memory_space<hbm>> -> memref<40000xf32, #tpu.memory_space<hbm>>
    tpu.wait_dma2 semaphore(%arg10 : memref<!tpu.dma_semaphore, #tpu.memory_space<semaphore_mem>>) src(%arg4 : memref<40000xf32, #tpu.memory_space<vmem>>) dst(%dma_wait3A_68 : memref<40000xf32, #tpu.memory_space<hbm>>)
    %dma_wait3A_69 = tpu.memref_slice %arg3[%add3A_58] : memref<7680000xf32, #tpu.memory_space<hbm>> -> memref<40000xf32, #tpu.memory_space<hbm>>
    %dma_wait3A_70 = tpu.memref_slice %arg3[%add3A_58] : memref<7680000xf32, #tpu.memory_space<hbm>> -> memref<40000xf32, #tpu.memory_space<hbm>>
    tpu.wait_dma2 semaphore(%arg11 : memref<!tpu.dma_semaphore, #tpu.memory_space<semaphore_mem>>) src(%arg5 : memref<40000xf32, #tpu.memory_space<vmem>>) dst(%dma_wait3A_70 : memref<40000xf32, #tpu.memory_space<hbm>>)
    %dma_wait3A_71 = tpu.memref_slice %arg3[%add3A_64] : memref<7680000xf32, #tpu.memory_space<hbm>> -> memref<40000xf32, #tpu.memory_space<hbm>>
    %dma_wait3A_72 = tpu.memref_slice %arg3[%add3A_64] : memref<7680000xf32, #tpu.memory_space<hbm>> -> memref<40000xf32, #tpu.memory_space<hbm>>
    tpu.wait_dma2 semaphore(%arg12 : memref<!tpu.dma_semaphore, #tpu.memory_space<semaphore_mem>>) src(%arg6 : memref<40000xf32, #tpu.memory_space<vmem>>) dst(%dma_wait3A_72 : memref<40000xf32, #tpu.memory_space<hbm>>)
    return
  }
}

module attributes {stable_mosaic.version = 14 : i64} {
  func.func @_mul_body(%arg0: i32, %arg1: memref<4000x128xf32, #tpu.memory_space<vmem>>, %arg2: memref<4000x128xf32, #tpu.memory_space<vmem>>, %arg3: memref<4000x128xf32, #tpu.memory_space<vmem>>) attributes {dimension_semantics = [#tpu.dimension_semantics<arbitrary>], iteration_bounds = array<i64: 15>, scalar_prefetch = 0 : i64, scratch_operands = 0 : i64, tpu.core_type = #tpu.core_type<tc>, window_params = [{transform_indices = @transform_0, window_bounds = array<i64: 4000, 128>}, {transform_indices = @transform_1, window_bounds = array<i64: 4000, 128>}, {transform_indices = @transform_2, window_bounds = array<i64: 4000, 128>}]} {
    %get3A = arith.constant 0 : index
    %get3A_0 = arith.constant 0 : index
    %get3A_1 = vector.load %arg1[%get3A, %get3A_0] : memref<4000x128xf32, #tpu.memory_space<vmem>>, vector<4000x128xf32>
    %get3A_2 = arith.constant 0 : index
    %get3A_3 = arith.constant 0 : index
    %get3A_4 = vector.load %arg2[%get3A_2, %get3A_3] : memref<4000x128xf32, #tpu.memory_space<vmem>>, vector<4000x128xf32>
    %mul3A = arith.mulf %get3A_1, %get3A_4 : vector<4000x128xf32>
    %swap3A = arith.constant 0 : index
    %swap3A_5 = arith.constant 0 : index
    %swap3A_6 = vector.load %arg3[%swap3A, %swap3A_5] : memref<4000x128xf32, #tpu.memory_space<vmem>>, vector<4000x128xf32>
    tpu.vector_store %arg3[%swap3A, %swap3A_5], %mul3A {strides = array<i32>} : memref<4000x128xf32, #tpu.memory_space<vmem>>, vector<4000x128xf32>,
    return
  }
  func.func @transform_0(%arg0: i32) -> (i32, i32) {
    %c0_i32 = arith.constant 0 : i32
    %c0_i32_0 = arith.constant 0 : i32
    return %arg0, %c0_i32 : i32, i32
  }
  func.func @transform_1(%arg0: i32) -> (i32, i32) {
    %c0_i32 = arith.constant 0 : i32
    %c0_i32_0 = arith.constant 0 : i32
    return %arg0, %c0_i32 : i32, i32
  }
  func.func @transform_2(%arg0: i32) -> (i32, i32) {
    %c0_i32 = arith.constant 0 : i32
    %c0_i32_0 = arith.constant 0 : i32
    return %arg0, %c0_i32 : i32, i32
  }
}

</mosaic_0001>

<sc_bundles>
// kernel: kernel.4.cloned.1.call-start
scs
__scs_entry_jumppad:
0x0: {  	(pc) =	sbr.rel $0x88, $3  }
0x1: {  	(tag) =	ssettag $0x0;
	lr =	simm.s32 $0x1  }
0x2: {  	[smem:$0x3F9F] =	sst lr;
	_ =	strace $0xD0000000  }
0x3: {  	_ = 	snop  }
0x4: {  	_ = 	snop  }
0x5: {  	_ = 	snop  }
0x6: {  	_ = 	snop  }
0x7: {  	_ = 	snop  }
__scs_overlays_trampoline_lowered:
0x8: {  	[smem:$0x3FAE] =	sst s0  }
0x9: {  	[smem:$0x3FAF] =	sst s1  }
0xa: {  	[smem:$0x3FB0] =	sst s2  }
0xb: {  	[smem:$0x3FB1] =	sst s3  }
0xc: {  	[smem:$0x3FB2] =	sst s4  }
0xd: {  	[smem:$0x3FB3] =	sst s5  }
0xe: {  	[smem:$0x3FB4] =	sst s6  }
0xf: {  	[smem:$0x3FB5] =	sst s7  }
0x10: {  	[smem:$0x3FB6] =	sst s8  }
0x11: {  	[smem:$0x3FB7] =	sst s9;
	s0 =	simm.s32 @!p0 $0x0  }
0x12: {  	s1 =	sld [smem:$0x3F9D];
	s0 =	simm.s32 @p0 $0x1  }
0x13: {  	[smem:$0x3FB8] =	sst s0;
	s0 =	simm.s32 @!p1 $0x0  }
0x14: {  	s2 =	sld [smem:$0x3F9C];
	s0 =	simm.s32 @p1 $0x1  }
0x15: {  	[smem:$0x3FB9] =	sst s0;
	s0 =	simm.s32 @!p2 $0x0  }
0x16: {  	s3 =	sld [smem:$0x3FDB];
	s0 =	simm.s32 @p2 $0x1  }
0x17: {  	s4 =	simm.s32 $0x1BF5;
	[smem:$0x3FBB] =	sst s0  }
0x18: {  	s0 =	sld [smem:$0x3F9E];
	_ =	swait.ge [sflag:s4], $0x0  }
0x19: {  	s7 =	sld [smem:$0x3F9F]  }
0x1a: {  	s8 =	sadd.s32 $0xFFFFE003, lr  }
0x1b: {  	s9 =	sadd.s32 $0xFFFFFEF7, lr;
	s5 =	simm.s32 $0xFFFFFFFF;
	p2 =	slt.u32 s8, $0xFFFFF086  }
0x1c: {  	p1 =	slt.u32 s9, $0xF7A;
	s5 =	simm.s32 @!p2 $0x0  }
0x1d: {  	s5 =	simm.s32 @p1 $0x1;
	p0 =	seq.s32 s7, s2  }
0x1e: {  	s7 =	smul.u32 @!p0 $0xF7A, s2;
	p2 =	seq.s32 @!p0 s5, $0x0  }
0x1f: {  	s9 =	smul.u32 $0xF7A, s1;
	s8 =	simm.s32 @!p0 $0x1BF5;
	p2 =	por !p2, p0  }
0x20: {  	[sflag:s8] =	ssyncset.s32 @!p0 $0xFFFFF086;
	s6 =	sadd.s32 @!p0 s3, s7;
	s7 =	simm.s32 @!p0 $0x108  }
0x21: {  	s3 =	sadd.s32 s3, s9;
	s6 =	sadd.s32 @!p0 $0x88, s6;
	s7 =	simm.s32 @p2 $0x1082  }
0x22: {  	[simem:s7], [sflag:s8] =	dma.local @!p0 [hbm:s6], $0xF7A  }
0x23: {  	s9 =	sor.u32 $0xD0000000, s2;
	s6 =	simm.s32 $0x108;
	_ =	swait.ge @!p0 [sflag:s8], $0x0  }
0x24: {  	s3 =	sadd.s32 $0x88, s3;
	s6 =	simm.s32 @!p1 $0x1082;
	[sflag:s4] =	ssyncset.s32 $0xFFFFF086  }
0x25: {  	[simem:s6], [sflag:s4] =	dma.local [hbm:s3], $0xF7A  }
0x26: {  	[smem:$0x3F9F] =	sst s1;
	(tag) =	ssettag s2;
	_ =	strace s9  }
0x27: {  	s1 =	sld [smem:$0x3FAF]  }
0x28: {  	s2 =	sld [smem:$0x3FB0]  }
0x29: {  	s4 =	sld [smem:$0x3FB2]  }
0x2a: {  	p0 =	seq.s32 s5, $0x0;
	s5 =	sld [smem:$0x3FB3]  }
0x2b: {  	s6 =	sld [smem:$0x3FB4]  }
0x2c: {  	s7 =	sld [smem:$0x3FB5]  }
0x2d: {  	s3 =	simm.s32 $0x108;
	s8 =	sld [smem:$0x3FB6]  }
0x2e: {  	s3 =	simm.s32 @!p0 $0x1082;
	s9 =	sld [smem:$0x3FB7]  }
0x2f: {  	lr =	sadd.s32 s0, s3;
	s0 =	sld [smem:$0x3FAE]  }
0x30: {  	s3 =	sld [smem:$0x3FB1]  }
0x31: {  	[smem:$0x3FBA] =	sst s10  }
0x32: {  	s10 =	sld [smem:$0x3FB8];
	_ =	sdelay $0x3  }
0x33: {  	p0 =	seq.s32 s10, $0x1;
	s10 =	sld [smem:$0x3FBA];
	_ =	sdelay $0x3  }
0x34: {  	[smem:$0x3FBA] =	sst s10  }
0x35: {  	s10 =	sld [smem:$0x3FB9];
	_ =	sdelay $0x3  }
0x36: {  	p1 =	seq.s32 s10, $0x1;
	s10 =	sld [smem:$0x3FBA];
	_ =	sdelay $0x3  }
0x37: {  	[smem:$0x3FBA] =	sst s10  }
0x38: {  	s10 =	sld [smem:$0x3FBB]  }
0x39: {  	_ = 	snop;
	(pc) =	sbr.ind lr, $3  }
0x3a: {  	_ = 	snop  }
0x3b: {  	_ = 	snop  }
0x3c: {  	p2 =	seq.s32 s10, $0x1;
	s10 =	sld [smem:$0x3FBA]  }
0x3d: {  	_ =	shalt  }
0x3e: {  	_ =	shalt  }
0x3f: {  	_ =	shalt  }
0x40: {  	_ =	shalt  }
0x41: {  	_ =	shalt  }
0x42: {  	_ =	shalt  }
0x43: {  	_ =	shalt  }
0x44: {  	_ =	shalt  }
0x45: {  	_ =	shalt  }
0x46: {  	_ =	shalt  }
0x47: {  	_ =	shalt  }
0x48: {  	_ =	shalt  }
0x49: {  	_ =	shalt  }
0x4a: {  	_ =	shalt  }
0x4b: {  	_ =	shalt  }
0x4c: {  	_ =	shalt  }
0x4d: {  	_ =	shalt  }
0x4e: {  	_ =	shalt  }
0x4f: {  	_ =	shalt  }
0x50: {  	_ =	shalt  }
0x51: {  	_ =	shalt  }
0x52: {  	_ =	shalt  }
0x53: {  	_ =	shalt  }
0x54: {  	_ =	shalt  }
0x55: {  	_ =	shalt  }
0x56: {  	_ =	shalt  }
0x57: {  	_ =	shalt  }
0x58: {  	_ =	shalt  }
0x59: {  	_ =	shalt  }
0x5a: {  	_ =	shalt  }
0x5b: {  	_ =	shalt  }
0x5c: {  	_ =	shalt  }
0x5d: {  	_ =	shalt  }
0x5e: {  	_ =	shalt  }
0x5f: {  	_ =	shalt  }
0x60: {  	_ =	shalt  }
0x61: {  	_ =	shalt  }
0x62: {  	_ =	shalt  }
0x63: {  	_ =	shalt  }
0x64: {  	_ =	shalt  }
0x65: {  	_ =	shalt  }
0x66: {  	_ =	shalt  }
0x67: {  	_ =	shalt  }
0x68: {  	_ =	shalt  }
0x69: {  	_ =	shalt  }
0x6a: {  	_ =	shalt  }
0x6b: {  	_ =	shalt  }
0x6c: {  	_ =	shalt  }
0x6d: {  	_ =	shalt  }
0x6e: {  	_ =	shalt  }
0x6f: {  	_ =	shalt  }
0x70: {  	_ =	shalt  }
0x71: {  	_ =	shalt  }
0x72: {  	_ =	shalt  }
0x73: {  	_ =	shalt  }
0x74: {  	_ =	shalt  }
0x75: {  	_ =	shalt  }
0x76: {  	_ =	shalt  }
0x77: {  	_ =	shalt  }
0x78: {  	_ =	shalt  }
0x79: {  	_ =	shalt  }
0x7a: {  	_ =	shalt  }
0x7b: {  	_ =	shalt  }
0x7c: {  	_ =	shalt  }
0x7d: {  	_ =	shalt  }
0x7e: {  	_ =	shalt  }
0x7f: {  	_ =	shalt  }
0x80: {  	_ =	shalt  }
0x81: {  	_ =	shalt  }
0x82: {  	_ =	shalt  }
0x83: {  	_ =	shalt  }
0x84: {  	_ =	shalt  }
0x85: {  	_ =	shalt  }
0x86: {  	_ =	shalt  }
0x87: {  	_ =	shalt  }
.Lfunc_end0:
.L_simem_size_0:
called_computation_lowered:
.L_overlay_start_0:
0x88: {  	s2 =	sld [smem:$0x3FD9]  }
0x89: {  	s3 =	sld [smem:$0x3FFE];
	_ =	sdelay $0x1  }
0x8a: {  	s1 =	srdreg.scid  }
0x8b: {  	s0 =	sand.u32 $0x1, s1  }
0x8c: {  	s15 =	sshll.u32 s0, $0xA;
	s2 =	sadd.s32 s3, s2  }
0x8d: {  	s2 =	sadd.s32 s2, s15  }
0x8e: {  	[smem:$0x3FC6] =	sst s2  }
0x8f: {  	_ = 	snop  }
0x90: {  	s2 =	sld [smem:$0x3FD0];
	_ =	sdelay $0x2  }
0x91: {  	s4 =	simm.s32 $0xA;
	s5 =	simm.s32 $0x10;
	s16 =	sld [smem:$0x3FC9]  }
0x92: {  	[smem:s5], [sflag:s4] =	dma.local [hbm:s2], $0x1  }
0x93: {  	_ =	swait.eq [sflag:s4], $0x1  }
0x94: {  	[sflag:s4] =	ssyncset.done $0x0  }
0x95: {  	[sflag:s4] =	ssyncadd.s32 $0xFFFFFFFF  }
0x96: {  	s17 =	sld [smem:$0x10];
	(tm) =	ssettm $0x1  }
0x97: {  	s18 =	sld [smem:$0x3FFB];
	_ =	sdelay $0x3  }
0x98: {  	_ =	strace s18  }
0x99: {  	s4 =	sld [smem:$0x3FFC];
	_ =	sdelay $0x3  }
0x9a: {  	_ =	strace s4  }
0x9b: {  	s4 =	sld [smem:$0x3FFD];
	_ =	sdelay $0x3  }
0x9c: {  	_ =	strace s4  }
0x9d: {  	_ =	strace $0x8FFFFFFF  }
0x9e: {  	s19 =	sld [smem:$0x3FDB];
	_ =	sdelay $0x1  }
0x9f: {  	s20 =	simm.s32 $_scs_section_size  }
0xa0: {  	s6 =	simm.s32 $_size__tile_overlayer_lowered;
	s7 =	simm.s32 $_tile_overlayer_lowered  }
0xa1: {  	s23 =	simm.s32 $0x1BFF;
	s22 =	sshll.u32 s7, $0x1;
	s4 =	sadd.s32 s20, s19  }
0xa2: {  	s8 =	simm.s32 $0x0;
	s21 =	sshll.u32 s6, $0x1;
	s6 =	sadd.s32 s22, s4  }
0xa3: {  	[timem:s8], [sflag:s23] =	dma.local [hbm:s6], s21  }
0xa4: {  	_ =	swait.ge [sflag:s23], s21  }
0xa5: {  	s5 =	ssub.s32 $0x0, s21;
	[sflag:s23] =	ssyncset.done $0x0  }
0xa6: {  	[sflag:s23] =	ssyncadd.s32 s5;
	_ =	sdelay $0x1  }
0xa7: {  	s24 =	simm.s32 $0x1B8B  }
0xa8: {  	_ =	swait.ge [sflag:s24], $0x1  }
0xa9: {  	[sflag:s24] =	ssyncset.done $0x0  }
0xaa: {  	s25 =	simm.s32 $0x1B8E;
	[sflag:s24] =	ssyncadd.s32 $0xFFFFFFFF  }
0xab: {  	s26 =	simm.s32 $execute0_lowered;
	[smem:$0x3FD2] =	sst s25  }
0xac: {  	s5 =	sshll.u32 s26, $0x1;
	_ =	strace $0x80000046;
	[dreg:$0x1] =	wrdreg $0xFFFFFFFF  }
0xad: {  	s28 =	simm.s32 $_size_execute0_lowered;
	s4 =	sadd.s32 s4, s5;
	[dreg:$0x0] =	wrdreg $0x0  }
0xae: {  	s5 =	sshll.u32 s28, $0x1;
	[dreg:$0x2] =	wrdreg s4  }
0xaf: {  	[dreg:$0x3] =	wrdreg s5  }
0xb0: {  	[dreg:$0x4] =	wrdreg $0xC0  }
0xb1: {  	_ =	task [dreg:s8], $0x5FFFF  }
0xb2: {  	[dreg:$0x1] =	wrdreg $0xFFFFFFFF  }
0xb3: {  	[dreg:$0x0] =	wrdreg $0x60  }
0xb4: {  	[dreg:$0x2] =	wrdreg s16  }
0xb5: {  	[dreg:$0x3] =	wrdreg s17  }
0xb6: {  	[dreg:$0x4] =	wrdreg $0x9  }
0xb7: {  	_ =	task.clear_ibuf [dreg:s8], $0x5FFFF;
	_ =	strace $0x90000046  }
0xb8: {  	s29 =	simm.s32 $0x9;
	_ =	strace $0x80000048  }
0xb9: {  	_ =	swait.ge [sflag:s29], $0x1  }
0xba: {  	[sflag:s29] =	ssyncadd.s32 $0xFFFFFFFF  }
0xbb: {  	_ =	strace $0x90000048  }
0xbc: {  	_ =	sfence  }
0xbd: {  	s30 =	sld [smem:$0x0];
	_ =	sdelay $0x2  }
0xbe: {  	s31 =	sshll.u32 s1, $0xD;
	s1 =	sshrl.u32 s1, $0x2  }
0xbf: {  	s3 =	sand.u32 $0x4000, s31;
	s1 =	sadd.s32 s1, s30  }
0xc0: {  	s0 =	sor.u32 s3, s0;
	s1 =	sshll.u32 s1, $0x11  }
0xc1: {  	s0 =	sor.u32 s1, s0  }
0xc2: {  	s0 =	sadd.s32 $0x8F2B, s0  }
0xc3: {  	[sflag:s0] =	ssyncadd.remote.s32 $0x1  }
0xc4: {  	_ =	sfence.sel $0xFFFF  }
0xc5: {  	[dreg:$0x0] =	wrdreg $0xFFFFFFFF;
	(pc) =	sbr.abs _section_cstart, $3  }
0xc6: {  	[dreg:$0x1] =	wrdreg $0xFFFFFFFF  }
0xc7: {  	_ =	task.clear_ibuf [dreg:s8], $0x2FFFF;
	_ =	strace $0x9FFFFFFF  }
0xc8: {  	(tm) =	ssettm $0x7FFFFFFF  }
0xc9: {  	_ =	shalt  }
tec
execute0_lowered:
.L_overlay_start_1:
0x0: {  	(tag) =	ssettag $0x1  }
0x1: {  	s1 =	srdreg.scid;
	s0 =	stileid.u32  }
0x2: {  	s23 =	sand.u32 $0x1, s1;
	s30 =	sshll.u32 s0, $0x1  }
0x3: {  	s19 =	rddreg [dreg:$0x0];
	s1 =	sor.u32 s23, s30  }
0x4: {  	s22 =	rddreg [dreg:$0x1];
	s2 =	simm.s32 $0x0;
	s3 =	smul.u32 $0x3A980, s1  }
0x5: {  	[smem:$0x7FF] =	sst s2  }
0x6: {  	s1 =	rddreg [dreg:$0x2];
	s20 =	sshrl.u32 s3, $0x3  }
0x7: {  	_ =	strace $0x80000047;
	s3 =	sadd.s32 s19, s20;
	s13 =	sadd.s32 $0x1388, s20  }
0x8: {  	[tilespmem:s2], [sflag:$0x1] =	stream.linear.gather [hbm4b:s3+s2], $0x9C40, $0x38;
	[tilespmem:$0x1D580] =	vst v63  }
0x9: {  	s5 =	simm.s32 $0x9C80;
	s17 =	sadd.s32 $0x2710, s20;
	s4 =	sadd.s32 s19, s13  }
0xa: {  	[tilespmem:s5], [sflag:$0x2] =	stream.linear.gather [hbm4b:s4+s2], $0x9C40, $0x38;
	[tilespmem:$0x1D580] =	vst v63  }
0xb: {  	s7 =	simm.s32 $0x13900;
	s8 =	simm.s32 $0x1;
	s6 =	sadd.s32 s19, s17  }
0xc: {  	[tilespmem:s7], [sflag:$0x3] =	stream.linear.gather [hbm4b:s6+s2], $0x9C40, $0x38;
	[tilespmem:$0x1D580] =	vst v63  }
0xd: {  	_ =	swait.ge [sflag:s8], $0x9C40  }
0xe: {  	[sflag:s8] =	ssyncset.done $0x0  }
0xf: {  	s10 =	simm.s32 $0x4;
	s9 =	sadd.s32 s22, s20;
	[sflag:s8] =	ssyncadd.s32 $0xFFFF63C0  }
0x10: {  	[hbm4b:s9+s2] =	stream.linear.scatter [tilespmem:s2], [sflag:$0x4], $0x9C40, $0x38;
	[tilespmem:$0x1D580] =	vst v63  }
0x11: {  	_ =	swait.ge [sflag:s10], $0x9C40  }
0x12: {  	s21 =	sadd.s32 $0x3A98, s20;
	[sflag:s10] =	ssyncset.done $0x0  }
0x13: {  	s12 =	simm.s32 $0x2;
	s11 =	sadd.s32 s19, s21;
	[sflag:s10] =	ssyncadd.s32 $0xFFFF63C0  }
0x14: {  	[tilespmem:s2], [sflag:$0x1] =	stream.linear.gather [hbm4b:s11+s2], $0x9C40, $0x38;
	[tilespmem:$0x1D580] =	vst v63  }
0x15: {  	_ =	swait.ge [sflag:s12], $0x9C40  }
0x16: {  	[sflag:s12] =	ssyncset.done $0x0  }
0x17: {  	s14 =	simm.s32 $0x5;
	s13 =	sadd.s32 s22, s13;
	[sflag:s12] =	ssyncadd.s32 $0xFFFF63C0  }
0x18: {  	[hbm4b:s13+s2] =	stream.linear.scatter [tilespmem:s5], [sflag:$0x5], $0x9C40, $0x38;
	[tilespmem:$0x1D580] =	vst v63  }
0x19: {  	_ =	swait.ge [sflag:s14], $0x9C40  }
0x1a: {  	s24 =	sadd.s32 $0x4E20, s20;
	[sflag:s14] =	ssyncset.done $0x0  }
0x1b: {  	s16 =	simm.s32 $0x3;
	s15 =	sadd.s32 s19, s24;
	[sflag:s14] =	ssyncadd.s32 $0xFFFF63C0  }
0x1c: {  	[tilespmem:s5], [sflag:$0x2] =	stream.linear.gather [hbm4b:s15+s2], $0x9C40, $0x38;
	[tilespmem:$0x1D580] =	vst v63  }
0x1d: {  	_ =	swait.ge [sflag:s16], $0x9C40  }
0x1e: {  	[sflag:s16] =	ssyncset.done $0x0  }
0x1f: {  	s18 =	sadd.s32 s22, s17;
	s17 =	simm.s32 $0x6;
	[sflag:s16] =	ssyncadd.s32 $0xFFFF63C0  }
0x20: {  	[hbm4b:s18+s2] =	stream.linear.scatter [tilespmem:s7], [sflag:$0x6], $0x9C40, $0x38;
	[tilespmem:$0x1D580] =	vst v63  }
0x21: {  	_ =	swait.ge [sflag:s17], $0x9C40  }
0x22: {  	s25 =	sadd.s32 $0x61A8, s20;
	[sflag:s17] =	ssyncset.done $0x0  }
0x23: {  	s19 =	sadd.s32 s19, s25;
	[sflag:s17] =	ssyncadd.s32 $0xFFFF63C0  }
0x24: {  	[tilespmem:s7], [sflag:$0x3] =	stream.linear.gather [hbm4b:s19+s2], $0x9C40, $0x38;
	[tilespmem:$0x1D580] =	vst v63  }
0x25: {  	_ =	swait.ge [sflag:s8], $0x9C40  }
0x26: {  	[sflag:s8] =	ssyncset.done $0x0  }
0x27: {  	s20 =	sadd.s32 s22, s21;
	[sflag:s8] =	ssyncadd.s32 $0xFFFF63C0  }
0x28: {  	[hbm4b:s20+s2] =	stream.linear.scatter [tilespmem:s2], [sflag:$0x4], $0x9C40, $0x38;
	[tilespmem:$0x1D580] =	vst v63  }
0x29: {  	_ =	swait.ge [sflag:s12], $0x9C40  }
0x2a: {  	[sflag:s12] =	ssyncset.done $0x0  }
0x2b: {  	s21 =	sadd.s32 s22, s24;
	[sflag:s12] =	ssyncadd.s32 $0xFFFF63C0  }
0x2c: {  	[hbm4b:s21+s2] =	stream.linear.scatter [tilespmem:s5], [sflag:$0x5], $0x9C40, $0x38;
	[tilespmem:$0x1D580] =	vst v63  }
0x2d: {  	_ =	swait.ge [sflag:s16], $0x9C40  }
0x2e: {  	s23 =	ssub.s32 $0x2, s23;
	[sflag:s16] =	ssyncset.done $0x0  }
0x2f: {  	s31 =	sshrl.u32 s23, $0x1;
	s22 =	sadd.s32 s22, s25;
	[sflag:s16] =	ssyncadd.s32 $0xFFFF63C0  }
0x30: {  	[hbm4b:s22+s2] =	stream.linear.scatter [tilespmem:s7], [sflag:$0x6], $0x9C40, $0x38;
	[tilespmem:$0x1D580] =	vst v63  }
0x31: {  	s23 =	ssub.s32 s23, s31;
	_ =	swait.ge [sflag:s10], $0x9C40  }
0x32: {  	s23 =	smax.u32 s23, $0x1;
	[sflag:s10] =	ssyncset.done $0x0  }
0x33: {  	p0 =	sne.s32 s23, $0x1;
	[sflag:s10] =	ssyncadd.s32 $0xFFFF63C0  }
.Ltmp0:
0x34: {  	_ =	swait.ge [sflag:s14], $0x9C40;
	(pc) =	sbr.rel @!p0 .LBB2_2-.Ltmp0, $4  }
0x35: {  	[sflag:s14] =	ssyncset.done $0x0  }
0x36: {  	[sflag:s14] =	ssyncadd.s32 $0xFFFF63C0  }
0x37: {  	_ =	swait.ge [sflag:s17], $0x9C40  }
0x38: {  	s23 =	sadd.s32 $0xFFFFFFFF, s23;
	[sflag:s17] =	ssyncset.done $0x0  }
.LBB2_1:
0x39: {  	p0 =	sne.s32 s23, $0x1;
	s23 =	sadd.s32 $0xFFFFFFFF, s23;
	[sflag:s17] =	ssyncadd.s32 $0xFFFF63C0  }
0x3a: {  	[tilespmem:s2], [sflag:$0x1] =	stream.linear.gather [hbm4b:s3+s2], $0x9C40, $0x38;
	[tilespmem:$0x1D580] =	vst v63  }
0x3b: {  	_ = 	snop  }
0x3c: {  	[tilespmem:s5], [sflag:$0x2] =	stream.linear.gather [hbm4b:s4+s2], $0x9C40, $0x38;
	[tilespmem:$0x1D580] =	vst v63  }
0x3d: {  	_ = 	snop  }
0x3e: {  	[tilespmem:s7], [sflag:$0x3] =	stream.linear.gather [hbm4b:s6+s2], $0x9C40, $0x38;
	[tilespmem:$0x1D580] =	vst v63  }
0x3f: {  	_ =	swait.ge [sflag:s8], $0x9C40  }
0x40: {  	[sflag:s8] =	ssyncset.done $0x0  }
0x41: {  	[sflag:s8] =	ssyncadd.s32 $0xFFFF63C0  }
0x42: {  	[hbm4b:s9+s2] =	stream.linear.scatter [tilespmem:s2], [sflag:$0x4], $0x9C40, $0x38;
	[tilespmem:$0x1D580] =	vst v63  }
0x43: {  	_ =	swait.ge [sflag:s10], $0x9C40  }
0x44: {  	[sflag:s10] =	ssyncset.done $0x0  }
0x45: {  	[sflag:s10] =	ssyncadd.s32 $0xFFFF63C0  }
0x46: {  	[tilespmem:s2], [sflag:$0x1] =	stream.linear.gather [hbm4b:s11+s2], $0x9C40, $0x38;
	[tilespmem:$0x1D580] =	vst v63  }
0x47: {  	_ =	swait.ge [sflag:s12], $0x9C40  }
0x48: {  	[sflag:s12] =	ssyncset.done $0x0  }
0x49: {  	[sflag:s12] =	ssyncadd.s32 $0xFFFF63C0  }
0x4a: {  	[hbm4b:s13+s2] =	stream.linear.scatter [tilespmem:s5], [sflag:$0x5], $0x9C40, $0x38;
	[tilespmem:$0x1D580] =	vst v63  }
0x4b: {  	_ =	swait.ge [sflag:s14], $0x9C40  }
0x4c: {  	[sflag:s14] =	ssyncset.done $0x0  }
0x4d: {  	[sflag:s14] =	ssyncadd.s32 $0xFFFF63C0  }
0x4e: {  	[tilespmem:s5], [sflag:$0x2] =	stream.linear.gather [hbm4b:s15+s2], $0x9C40, $0x38;
	[tilespmem:$0x1D580] =	vst v63  }
0x4f: {  	_ =	swait.ge [sflag:s16], $0x9C40  }
0x50: {  	[sflag:s16] =	ssyncset.done $0x0  }
0x51: {  	[sflag:s16] =	ssyncadd.s32 $0xFFFF63C0  }
0x52: {  	[hbm4b:s18+s2] =	stream.linear.scatter [tilespmem:s7], [sflag:$0x6], $0x9C40, $0x38;
	[tilespmem:$0x1D580] =	vst v63  }
0x53: {  	_ =	swait.ge [sflag:s17], $0x9C40  }
0x54: {  	[sflag:s17] =	ssyncset.done $0x0  }
0x55: {  	[sflag:s17] =	ssyncadd.s32 $0xFFFF63C0  }
0x56: {  	[tilespmem:s7], [sflag:$0x3] =	stream.linear.gather [hbm4b:s19+s2], $0x9C40, $0x38;
	[tilespmem:$0x1D580] =	vst v63  }
0x57: {  	_ =	swait.ge [sflag:s8], $0x9C40  }
0x58: {  	[sflag:s8] =	ssyncset.done $0x0  }
0x59: {  	[sflag:s8] =	ssyncadd.s32 $0xFFFF63C0  }
0x5a: {  	[hbm4b:s20+s2] =	stream.linear.scatter [tilespmem:s2], [sflag:$0x4], $0x9C40, $0x38;
	[tilespmem:$0x1D580] =	vst v63  }
0x5b: {  	_ =	swait.ge [sflag:s12], $0x9C40  }
0x5c: {  	[sflag:s12] =	ssyncset.done $0x0  }
0x5d: {  	[sflag:s12] =	ssyncadd.s32 $0xFFFF63C0  }
0x5e: {  	[hbm4b:s21+s2] =	stream.linear.scatter [tilespmem:s5], [sflag:$0x5], $0x9C40, $0x38;
	[tilespmem:$0x1D580] =	vst v63  }
0x5f: {  	_ =	swait.ge [sflag:s16], $0x9C40  }
0x60: {  	[sflag:s16] =	ssyncset.done $0x0  }
0x61: {  	[sflag:s16] =	ssyncadd.s32 $0xFFFF63C0  }
0x62: {  	[hbm4b:s22+s2] =	stream.linear.scatter [tilespmem:s7], [sflag:$0x6], $0x9C40, $0x38;
	[tilespmem:$0x1D580] =	vst v63  }
0x63: {  	_ =	swait.ge [sflag:s10], $0x9C40  }
0x64: {  	[sflag:s10] =	ssyncset.done $0x0  }
0x65: {  	[sflag:s10] =	ssyncadd.s32 $0xFFFF63C0  }
.Ltmp1:
0x66: {  	_ =	swait.ge [sflag:s14], $0x9C40;
	(pc) =	sbr.rel @p0 .LBB2_1-.Ltmp1, $4  }
0x67: {  	[sflag:s14] =	ssyncset.done $0x0  }
0x68: {  	[sflag:s14] =	ssyncadd.s32 $0xFFFF63C0  }
0x69: {  	_ =	swait.ge [sflag:s17], $0x9C40  }
0x6a: {  	[sflag:s17] =	ssyncset.done $0x0  }
.LBB2_2:
0x6b: {  	[sflag:s17] =	ssyncadd.s32 $0xFFFF63C0  }
0x6c: {  	_ =	sfence.sel $0x180000  }
0x6d: {  	[bflag:$0x0] =	sbarrier.arrive $0xFFFF  }
0x6e: {  	p0 =	sne.s32 s0, $0x0;
	_ =	strace $0x90000047  }
0x6f: {  	s0 =	sadd.s32 @!p0 $0x100000, s1;
	[bflag:$0x2] =	sbarrier.arrive $0xFFFF  }
0x70: {  	[sflag:s0] =	ssyncadd.tile.s32 @!p0 $0x1;
	_ =	shalt  }
.Lfunc_end2:
_tile_overlayer_lowered:
.L_overlay_start_2:
0x71: {  	(tag) =	ssettag $0x2  }
0x72: {  	s0 =	rddreg [dreg:$0x0];
	s2 =	stileid.u32  }
0x73: {  	s1 =	rddreg [dreg:$0x1];
	p0 =	sne.s32 s2, $0x0  }
0x74: {  	s3 =	rddreg [dreg:$0x2];
	[bflag:$0x3] =	sbarrier.arrive $0xFFFF;
	s2 =	simm.s32 @!p0 $0x1C07  }
0x75: {  	[timem:s3], [sflag:s2] =	dma.local @!p0 [hbm:s0], s1  }
0x76: {  	s0 =	simm.s32 @!p0 $0x7  }
0x77: {  	_ =	swait.ge @!p0 [sflag:s0], s1  }
0x78: {  	s1 =	ssub.s32 @!p0 $0x0, s1;
	[sflag:s0] =	ssyncset.done @!p0 $0x0  }
0x79: {  	[sflag:s0] =	ssyncadd.s32 @!p0 s1  }
0x7a: {  	[bflag:$0x3] =	sbarrier.arrive $0xFFFF  }
0x7b: {  	_ =	shalt  }

</sc_bundles>
